<compile_context>
chip_gen: v7x
topology: tpu7x:2x2x1
jax: 0.10.2.dev20260603
libtpu: 0.0.44.dev20260713+nightly
codegen_flags: <defaults>
</compile_context>

<pallas_src>
import jax
import jax.numpy as jnp
from jax import lax
from jax.experimental import pallas as pl
from jax.experimental.pallas import tpu as pltpu
from jax.experimental.pallas import tpu_sc as plsc

N_VOX = 100000
C_IN = 32
C_OUT = 32
K_VOL = 27
E_PAIR = 50000

NUM_CORES = 2
NUM_SUBCORES = 16

EDGES = K_VOL * E_PAIR
BLK_EDGES = 384
N_BLKS = 220
N_HALF = N_BLKS // 2
EDGES_PER_TILE = N_BLKS * BLK_EDGES
EDGES_PAD = NUM_SUBCORES * EDGES_PER_TILE

HALF0 = 50048
HALF1 = N_VOX - HALF0
DUMMY = HALF0
ACC_ROWS = 50176
ZROWS = ACC_ROWS // NUM_SUBCORES
CP_ROWS = HALF0 // NUM_SUBCORES
CP_TAIL = HALF1 - 15 * CP_ROWS


def _tc_matmul_body(x_ref, w_ref, y_ref):
    y_ref[...] = jnp.dot(x_ref[...], w_ref[0],
                         preferred_element_type=jnp.float32)


def _tc_matmul(x, w):
    x128 = x.reshape(N_VOX // 4000, 4, 1000, C_IN).swapaxes(1, 2)
    x128 = x128.reshape(N_VOX // 4, 4 * C_IN)
    wbd = jax.vmap(lambda wk: jnp.kron(jnp.eye(4, dtype=wk.dtype), wk))(w)
    rblk = 25000
    nblk = N_VOX // 4 // rblk
    grid = (nblk, K_VOL)
    return pl.pallas_call(
        _tc_matmul_body,
        grid=grid,
        in_specs=[
            pl.BlockSpec((rblk, 4 * C_IN), lambda i, k: (i, 0)),
            pl.BlockSpec((1, 4 * C_IN, 4 * C_OUT), lambda i, k: (k, 0, 0)),
        ],
        out_specs=pl.BlockSpec((rblk, 4 * C_OUT),
                               lambda i, k: (k * nblk + i, 0)),
        out_shape=jax.ShapeDtypeStruct(
            (K_VOL * N_VOX // 4, 4 * C_OUT), jnp.float32),
    )(x128, wbd)


def _sc_body(y_hbm, inidx_hbm, outidx_hbm, zeros_hbm, out_hbm,
             inidx_a, outidx_a, msgs_a, inidx_b, outidx_b, msgs_b,
             acc, sem_ga, sem_gb, sem_sa, sem_sb):
    c = lax.axis_index("c")
    s = lax.axis_index("s")

    pltpu.sync_copy(zeros_hbm, acc.at[pl.ds(s * ZROWS, ZROWS)])
    plsc.subcore_barrier()

    base_a = s * EDGES_PER_TILE
    base_b = base_a + N_HALF * BLK_EDGES
    obase_a = c * EDGES_PAD + base_a
    obase_b = c * EDGES_PAD + base_b

    def load_and_gather(t, base, obase, iv, ov, mv, sem_g):
        eb = base + t * BLK_EDGES
        pltpu.sync_copy(inidx_hbm.at[pl.ds(eb, BLK_EDGES)], iv)
        pltpu.sync_copy(outidx_hbm.at[pl.ds(obase + t * BLK_EDGES, BLK_EDGES)],
                        ov)
        pltpu.async_copy(y_hbm.at[iv], mv, sem_g)

    load_and_gather(0, base_a, obase_a, inidx_a, outidx_a, msgs_a, sem_ga)
    load_and_gather(0, base_b, obase_b, inidx_b, outidx_b, msgs_b, sem_gb)

    def block(t, carry):
        pltpu.make_async_copy(y_hbm.at[inidx_a], msgs_a, sem_ga).wait()
        sa = pltpu.async_copy(msgs_a, acc.at[outidx_a], sem_sa, add=True)
        pltpu.make_async_copy(y_hbm.at[inidx_b], msgs_b, sem_gb).wait()
        sb = pltpu.async_copy(msgs_b, acc.at[outidx_b], sem_sb, add=True)
        sa.wait()

        @pl.when(t < N_HALF - 1)
        def _next_a():
            load_and_gather(t + 1, base_a, obase_a,
                            inidx_a, outidx_a, msgs_a, sem_ga)
        sb.wait()

        @pl.when(t < N_HALF - 1)
        def _next_b():
            load_and_gather(t + 1, base_b, obase_b,
                            inidx_b, outidx_b, msgs_b, sem_gb)
        return carry

    lax.fori_loop(0, N_HALF, block, 0)
    plsc.subcore_barrier()

    @pl.when((c == 0) | (s < NUM_SUBCORES - 1))
    def _copy_main():
        pltpu.sync_copy(
            acc.at[pl.ds(s * CP_ROWS, CP_ROWS)],
            out_hbm.at[pl.ds(c * HALF0 + s * CP_ROWS, CP_ROWS)])

    @pl.when((c == 1) & (s == NUM_SUBCORES - 1))
    def _copy_tail():
        pltpu.sync_copy(
            acc.at[pl.ds(15 * CP_ROWS, CP_TAIL)],
            out_hbm.at[pl.ds(HALF0 + 15 * CP_ROWS, CP_TAIL)])


def _sc_gather_scatter(y2d, inidx2d, outidx2d, zeros):
    mesh = plsc.VectorSubcoreMesh(core_axis_name="c", subcore_axis_name="s")
    kfn = pl.kernel(
        _sc_body,
        out_type=jax.ShapeDtypeStruct((N_VOX, C_OUT), jnp.float32),
        mesh=mesh,
        scratch_types=[
            pltpu.VMEM((BLK_EDGES,), jnp.int32),
            pltpu.VMEM((BLK_EDGES,), jnp.int32),
            pltpu.VMEM((BLK_EDGES, C_OUT), jnp.float32),
            pltpu.VMEM((BLK_EDGES,), jnp.int32),
            pltpu.VMEM((BLK_EDGES,), jnp.int32),
            pltpu.VMEM((BLK_EDGES, C_OUT), jnp.float32),
            pltpu.VMEM_SHARED((ACC_ROWS, C_OUT), jnp.float32),
            pltpu.SemaphoreType.DMA,
            pltpu.SemaphoreType.DMA,
            pltpu.SemaphoreType.DMA,
            pltpu.SemaphoreType.DMA,
        ],
        compiler_params=pltpu.CompilerParams(use_tc_tiling_on_sc=False),
    )
    return kfn(y2d, inidx2d, outidx2d, zeros)


def kernel(x, kernel, in_idx, out_idx):
    in32 = in_idx.astype(jnp.int32)
    out32 = out_idx.astype(jnp.int32)
    vperm = ((in32 // 4000) * 4000 + (in32 % 1000) * 4
             + (in32 % 4000) // 1000)
    flat_in = (vperm + (jnp.arange(K_VOL, dtype=jnp.int32) * N_VOX)[:, None])
    flat_in = flat_in.reshape(-1)
    flat_out = out32.reshape(-1)
    pad = EDGES_PAD - EDGES
    flat_in = jnp.concatenate([flat_in, jnp.zeros((pad,), jnp.int32)])
    flat_out = jnp.concatenate([flat_out, jnp.full((pad,), -1, jnp.int32)])
    out_c0 = jnp.where((flat_out >= 0) & (flat_out < HALF0), flat_out, DUMMY)
    out_c1 = jnp.where(flat_out >= HALF0, flat_out - HALF0, DUMMY)
    outidx1d = jnp.concatenate([out_c0, out_c1])
    inidx1d = flat_in
    zeros = jnp.zeros((ZROWS, C_OUT), jnp.float32)

    y = _tc_matmul(x, kernel)
    y2d = y.reshape(K_VOL * N_VOX, C_OUT)
    return _sc_gather_scatter(y2d, inidx1d, outidx1d, zeros)

# --- scband reference (transcript-rebuilt; emitter-appended) ---
"""Pipeline reference for scband-conv3d-90821378441234 (READ-ONLY COPY).

The authoritative reference and input builder live on the scoring server;
editing this copy changes nothing except your own understanding.
"""

import jax, jax.numpy as jnp
import numpy as np

N = 100000   # active voxels
C_IN = 32
C_OUT = 32
K = 27       # 3x3x3 kernel volume
E = 50000    # matched (in, out) pairs per kernel offset


def setup_inputs(seed: int = 0) -> dict:
    key = jax.random.key(seed)
    k1, k2, k3, k4 = jax.random.split(key, 4)
    x = jax.random.normal(k1, (N, C_IN), dtype=jnp.float32)
    # kernel map: for each of the K offsets, indices of input voxels and the
    # output voxels they contribute to (torchsparse builds this via hashmap)
    in_idx = jax.random.randint(k2, (K, E), 0, N, dtype=jnp.int64)
    out_idx = jax.random.randint(k3, (K, E), 0, N, dtype=jnp.int64)
    # weight init matches reset_parameters: uniform(-std, std), std = 1/sqrt(C_in*K)
    std = 1.0 / np.sqrt(C_IN * K)
    kernel = jax.random.uniform(k4, (K, C_IN, C_OUT), minval=-std, maxval=std, dtype=jnp.float32)
    return {"x": x, "kernel": kernel, "in_idx": in_idx, "out_idx": out_idx}


def reference(x, kernel, in_idx, out_idx):
    # Sparse conv3d as gather -> GEMM -> scatter-add per kernel offset
    out = jnp.zeros((N, C_OUT), dtype=x.dtype)
    for k in range(K):
        gathered = jnp.take(x, in_idx[k], axis=0)          # [E, C_in] gather
        msg = gathered @ kernel[k]                          # [E, C_out] GEMM
        out = out.at[out_idx[k]].add(msg)                   # scatter-add
    return out

if __name__ == "__main__":
    import jax
    _d = setup_inputs()
    print(jax.jit(kernel)(*tuple(_d.values())))

</pallas_src>

<mosaic_0001>
#map = affine_map<(d0, d1) -> (0, 0)>
#map1 = affine_map<(d0, d1) -> (0)>
module attributes {stable_mosaic.version = 14 : i64} {
  func.func @_sc_body(%arg0: i32, %arg1: i32, %arg2: memref<2700000x32xf32, #tpu.memory_space<hbm>>, %arg3: memref<1351680xi32, #tpu.memory_space<hbm>>, %arg4: memref<2703360xi32, #tpu.memory_space<hbm>>, %arg5: memref<3136x32xf32, #tpu.memory_space<hbm>>, %arg6: memref<100000x32xf32, #tpu.memory_space<hbm>>, %arg7: memref<384xi32, #tpu.memory_space<vmem>>, %arg8: memref<384xi32, #tpu.memory_space<vmem>>, %arg9: memref<384x32xf32, #tpu.memory_space<vmem>>, %arg10: memref<384xi32, #tpu.memory_space<vmem>>, %arg11: memref<384xi32, #tpu.memory_space<vmem>>, %arg12: memref<384x32xf32, #tpu.memory_space<vmem>>, %arg13: memref<50176x32xf32, #tpu.memory_space<vmem_shared>>, %arg14: memref<!tpu.dma_semaphore, #tpu.memory_space<semaphore_mem>>, %arg15: memref<!tpu.dma_semaphore, #tpu.memory_space<semaphore_mem>>, %arg16: memref<!tpu.dma_semaphore, #tpu.memory_space<semaphore_mem>>, %arg17: memref<!tpu.dma_semaphore, #tpu.memory_space<semaphore_mem>>) attributes {dimension_semantics = [#tpu.dimension_semantics<core_parallel>, #tpu.dimension_semantics<subcore_parallel>], iteration_bounds = array<i64: 2, 16>, scalar_prefetch = 0 : i64, scratch_operands = 11 : i64, tpu.core_type = #tpu.core_type<sc_vector_subcore>, window_params = [{transform_indices = #map}, {transform_indices = #map1}, {transform_indices = #map1}, {transform_indices = #map}, {transform_indices = #map}]} {
    %mul3A = arith.constant 3136 : i32
    %mul3A_0 = arith.muli %arg1, %mul3A : i32
    "tpu.region"() ({
      %run_scoped3A = tpu.sem_alloc : memref<!tpu.dma_semaphore, #tpu.memory_space<semaphore_mem>>
      %dma_start3A_39 = arith.constant 0 : i32
      %dma_start3A_40 = tpu.memref_slice %arg13[%mul3A_0, %dma_start3A_39] : memref<50176x32xf32, #tpu.memory_space<vmem_shared>> -> memref<3136x32xf32, #tpu.memory_space<vmem_shared>>
      tpu.enqueue_dma source(%arg5 : memref<3136x32xf32, #tpu.memory_space<hbm>>) target(%dma_start3A_40 : memref<3136x32xf32, #tpu.memory_space<vmem_shared>>) target_semaphore(%run_scoped3A : memref<!tpu.dma_semaphore, #tpu.memory_space<semaphore_mem>>)
      %dma_wait3A = arith.constant 0 : i32
      %dma_wait3A_41 = tpu.memref_slice %arg13[%mul3A_0, %dma_wait3A] : memref<50176x32xf32, #tpu.memory_space<vmem_shared>> -> memref<3136x32xf32, #tpu.memory_space<vmem_shared>>
      tpu.wait_dma2 semaphore(%run_scoped3A : memref<!tpu.dma_semaphore, #tpu.memory_space<semaphore_mem>>) src(%arg5 : memref<3136x32xf32, #tpu.memory_space<hbm>>) dst(%dma_wait3A_41 : memref<3136x32xf32, #tpu.memory_space<vmem_shared>>)
      tpu.yield
    }) : () -> ()
    %barrier3A = arith.constant 0 : index
    tpu.barrier barrier_id(%barrier3A)
    %mul3A_1 = arith.constant 84480 : i32
    %mul3A_2 = arith.muli %arg1, %mul3A_1 : i32
    %add3A = arith.constant 42240 : i32
    %add3A_3 = arith.addi %mul3A_2, %add3A : i32
    %mul3A_4 = arith.constant 1351680 : i32
    %mul3A_5 = arith.muli %arg0, %mul3A_4 : i32
    %add3A_6 = arith.addi %mul3A_5, %mul3A_2 : i32
    %mul3A_7 = arith.constant 1351680 : i32
    %mul3A_8 = arith.muli %arg0, %mul3A_7 : i32
    %add3A_9 = arith.addi %mul3A_8, %add3A_3 : i32
    %add3A_10 = arith.constant 0 : i32
    %add3A_11 = arith.addi %mul3A_2, %add3A_10 : i32
    "tpu.region"() ({
      %run_scoped3A = tpu.sem_alloc : memref<!tpu.dma_semaphore, #tpu.memory_space<semaphore_mem>>
      %dma_start3A_39 = tpu.memref_slice %arg3[%add3A_11] : memref<1351680xi32, #tpu.memory_space<hbm>> -> memref<384xi32, #tpu.memory_space<hbm>>
      %dma_start3A_40 = tpu.memref_slice %arg3[%add3A_11] : memref<1351680xi32, #tpu.memory_space<hbm>> -> memref<384xi32, #tpu.memory_space<hbm>>
      tpu.enqueue_dma source(%dma_start3A_40 : memref<384xi32, #tpu.memory_space<hbm>>) target(%arg7 : memref<384xi32, #tpu.memory_space<vmem>>) target_semaphore(%run_scoped3A : memref<!tpu.dma_semaphore, #tpu.memory_space<semaphore_mem>>)
      %dma_wait3A = tpu.memref_slice %arg3[%add3A_11] : memref<1351680xi32, #tpu.memory_space<hbm>> -> memref<384xi32, #tpu.memory_space<hbm>>
      %dma_wait3A_41 = tpu.memref_slice %arg3[%add3A_11] : memref<1351680xi32, #tpu.memory_space<hbm>> -> memref<384xi32, #tpu.memory_space<hbm>>
      tpu.wait_dma2 semaphore(%run_scoped3A : memref<!tpu.dma_semaphore, #tpu.memory_space<semaphore_mem>>) src(%dma_wait3A_41 : memref<384xi32, #tpu.memory_space<hbm>>) dst(%arg7 : memref<384xi32, #tpu.memory_space<vmem>>)
      tpu.yield
    }) : () -> ()
    %add3A_12 = arith.constant 0 : i32
    %add3A_13 = arith.addi %add3A_6, %add3A_12 : i32
    "tpu.region"() ({
      %run_scoped3A = tpu.sem_alloc : memref<!tpu.dma_semaphore, #tpu.memory_space<semaphore_mem>>
      %dma_start3A_39 = tpu.memref_slice %arg4[%add3A_13] : memref<2703360xi32, #tpu.memory_space<hbm>> -> memref<384xi32, #tpu.memory_space<hbm>>
      %dma_start3A_40 = tpu.memref_slice %arg4[%add3A_13] : memref<2703360xi32, #tpu.memory_space<hbm>> -> memref<384xi32, #tpu.memory_space<hbm>>
      tpu.enqueue_dma source(%dma_start3A_40 : memref<384xi32, #tpu.memory_space<hbm>>) target(%arg8 : memref<384xi32, #tpu.memory_space<vmem>>) target_semaphore(%run_scoped3A : memref<!tpu.dma_semaphore, #tpu.memory_space<semaphore_mem>>)
      %dma_wait3A = tpu.memref_slice %arg4[%add3A_13] : memref<2703360xi32, #tpu.memory_space<hbm>> -> memref<384xi32, #tpu.memory_space<hbm>>
      %dma_wait3A_41 = tpu.memref_slice %arg4[%add3A_13] : memref<2703360xi32, #tpu.memory_space<hbm>> -> memref<384xi32, #tpu.memory_space<hbm>>
      tpu.wait_dma2 semaphore(%run_scoped3A : memref<!tpu.dma_semaphore, #tpu.memory_space<semaphore_mem>>) src(%dma_wait3A_41 : memref<384xi32, #tpu.memory_space<hbm>>) dst(%arg8 : memref<384xi32, #tpu.memory_space<vmem>>)
      tpu.yield
    }) : () -> ()
    %dma_start3A = arith.constant 0 : i32
    %dma_start3A_14 = arith.constant 0 : i32
    %dma_start3A_15 = tpu.memref_slice %arg2[%dma_start3A, %dma_start3A_14] : memref<2700000x32xf32, #tpu.memory_space<hbm>> -> memref<2700000x32xf32, #tpu.memory_space<hbm>>
    tpu.enqueue_indirect_dma source(%dma_start3A_15 : memref<2700000x32xf32, #tpu.memory_space<hbm>>) target(%arg9 : memref<384x32xf32, #tpu.memory_space<vmem>>) offsets(%arg7 : memref<384xi32, #tpu.memory_space<vmem>>) semaphore(%arg14 : memref<!tpu.dma_semaphore, #tpu.memory_space<semaphore_mem>>)
    %add3A_16 = arith.constant 0 : i32
    %add3A_17 = arith.addi %add3A_3, %add3A_16 : i32
    "tpu.region"() ({
      %run_scoped3A = tpu.sem_alloc : memref<!tpu.dma_semaphore, #tpu.memory_space<semaphore_mem>>
      %dma_start3A_39 = tpu.memref_slice %arg3[%add3A_17] : memref<1351680xi32, #tpu.memory_space<hbm>> -> memref<384xi32, #tpu.memory_space<hbm>>
      %dma_start3A_40 = tpu.memref_slice %arg3[%add3A_17] : memref<1351680xi32, #tpu.memory_space<hbm>> -> memref<384xi32, #tpu.memory_space<hbm>>
      tpu.enqueue_dma source(%dma_start3A_40 : memref<384xi32, #tpu.memory_space<hbm>>) target(%arg10 : memref<384xi32, #tpu.memory_space<vmem>>) target_semaphore(%run_scoped3A : memref<!tpu.dma_semaphore, #tpu.memory_space<semaphore_mem>>)
      %dma_wait3A = tpu.memref_slice %arg3[%add3A_17] : memref<1351680xi32, #tpu.memory_space<hbm>> -> memref<384xi32, #tpu.memory_space<hbm>>
      %dma_wait3A_41 = tpu.memref_slice %arg3[%add3A_17] : memref<1351680xi32, #tpu.memory_space<hbm>> -> memref<384xi32, #tpu.memory_space<hbm>>
      tpu.wait_dma2 semaphore(%run_scoped3A : memref<!tpu.dma_semaphore, #tpu.memory_space<semaphore_mem>>) src(%dma_wait3A_41 : memref<384xi32, #tpu.memory_space<hbm>>) dst(%arg10 : memref<384xi32, #tpu.memory_space<vmem>>)
      tpu.yield
    }) : () -> ()
    %add3A_18 = arith.constant 0 : i32
    %add3A_19 = arith.addi %add3A_9, %add3A_18 : i32
    "tpu.region"() ({
      %run_scoped3A = tpu.sem_alloc : memref<!tpu.dma_semaphore, #tpu.memory_space<semaphore_mem>>
      %dma_start3A_39 = tpu.memref_slice %arg4[%add3A_19] : memref<2703360xi32, #tpu.memory_space<hbm>> -> memref<384xi32, #tpu.memory_space<hbm>>
      %dma_start3A_40 = tpu.memref_slice %arg4[%add3A_19] : memref<2703360xi32, #tpu.memory_space<hbm>> -> memref<384xi32, #tpu.memory_space<hbm>>
      tpu.enqueue_dma source(%dma_start3A_40 : memref<384xi32, #tpu.memory_space<hbm>>) target(%arg11 : memref<384xi32, #tpu.memory_space<vmem>>) target_semaphore(%run_scoped3A : memref<!tpu.dma_semaphore, #tpu.memory_space<semaphore_mem>>)
      %dma_wait3A = tpu.memref_slice %arg4[%add3A_19] : memref<2703360xi32, #tpu.memory_space<hbm>> -> memref<384xi32, #tpu.memory_space<hbm>>
      %dma_wait3A_41 = tpu.memref_slice %arg4[%add3A_19] : memref<2703360xi32, #tpu.memory_space<hbm>> -> memref<384xi32, #tpu.memory_space<hbm>>
      tpu.wait_dma2 semaphore(%run_scoped3A : memref<!tpu.dma_semaphore, #tpu.memory_space<semaphore_mem>>) src(%dma_wait3A_41 : memref<384xi32, #tpu.memory_space<hbm>>) dst(%arg11 : memref<384xi32, #tpu.memory_space<vmem>>)
      tpu.yield
    }) : () -> ()
    %dma_start3A_20 = arith.constant 0 : i32
    %dma_start3A_21 = arith.constant 0 : i32
    %dma_start3A_22 = tpu.memref_slice %arg2[%dma_start3A_20, %dma_start3A_21] : memref<2700000x32xf32, #tpu.memory_space<hbm>> -> memref<2700000x32xf32, #tpu.memory_space<hbm>>
    tpu.enqueue_indirect_dma source(%dma_start3A_22 : memref<2700000x32xf32, #tpu.memory_space<hbm>>) target(%arg12 : memref<384x32xf32, #tpu.memory_space<vmem>>) offsets(%arg10 : memref<384xi32, #tpu.memory_space<vmem>>) semaphore(%arg15 : memref<!tpu.dma_semaphore, #tpu.memory_space<semaphore_mem>>)
    %scan3A = arith.constant 0 : i32
    %scan3A_23 = arith.constant 0 : i32
    %scan3A_24 = arith.constant 110 : i32
    %scan3A_25 = arith.addi %scan3A_23, %scan3A_24 : i32
    %scan3A_26 = arith.constant 1 : i32
    scf.for %scan3A_39 = %scan3A_23 to %scan3A_25 step %scan3A_26  : i32 {
      %dma_wait3A = arith.constant 0 : i32
      %dma_wait3A_40 = arith.constant 0 : i32
      %dma_wait3A_41 = tpu.memref_slice %arg2[%dma_wait3A, %dma_wait3A_40] : memref<2700000x32xf32, #tpu.memory_space<hbm>> -> memref<2700000x32xf32, #tpu.memory_space<hbm>>
      tpu.wait_indirect_dma semaphore(%arg14 : memref<!tpu.dma_semaphore, #tpu.memory_space<semaphore_mem>>) src(%dma_wait3A_41 : memref<2700000x32xf32, #tpu.memory_space<hbm>>) dst(%arg9 : memref<384x32xf32, #tpu.memory_space<vmem>>)
      %dma_start3A_42 = arith.constant 0 : i32
      %dma_start3A_43 = arith.constant 0 : i32
      %dma_start3A_44 = tpu.memref_slice %arg13[%dma_start3A_42, %dma_start3A_43] : memref<50176x32xf32, #tpu.memory_space<vmem_shared>> -> memref<50176x32xf32, #tpu.memory_space<vmem_shared>>
      tpu.enqueue_indirect_dma source(%arg9 : memref<384x32xf32, #tpu.memory_space<vmem>>) target(%dma_start3A_44 : memref<50176x32xf32, #tpu.memory_space<vmem_shared>>) offsets(%arg8 : memref<384xi32, #tpu.memory_space<vmem>>) semaphore(%arg16 : memref<!tpu.dma_semaphore, #tpu.memory_space<semaphore_mem>>) {add = true}
      %dma_wait3A_45 = arith.constant 0 : i32
      %dma_wait3A_46 = arith.constant 0 : i32
      %dma_wait3A_47 = tpu.memref_slice %arg2[%dma_wait3A_45, %dma_wait3A_46] : memref<2700000x32xf32, #tpu.memory_space<hbm>> -> memref<2700000x32xf32, #tpu.memory_space<hbm>>
      tpu.wait_indirect_dma semaphore(%arg15 : memref<!tpu.dma_semaphore, #tpu.memory_space<semaphore_mem>>) src(%dma_wait3A_47 : memref<2700000x32xf32, #tpu.memory_space<hbm>>) dst(%arg12 : memref<384x32xf32, #tpu.memory_space<vmem>>)
      %dma_start3A_48 = arith.constant 0 : i32
      %dma_start3A_49 = arith.constant 0 : i32
      %dma_start3A_50 = tpu.memref_slice %arg13[%dma_start3A_48, %dma_start3A_49] : memref<50176x32xf32, #tpu.memory_space<vmem_shared>> -> memref<50176x32xf32, #tpu.memory_space<vmem_shared>>
      tpu.enqueue_indirect_dma source(%arg12 : memref<384x32xf32, #tpu.memory_space<vmem>>) target(%dma_start3A_50 : memref<50176x32xf32, #tpu.memory_space<vmem_shared>>) offsets(%arg11 : memref<384xi32, #tpu.memory_space<vmem>>) semaphore(%arg17 : memref<!tpu.dma_semaphore, #tpu.memory_space<semaphore_mem>>) {add = true}
      %dma_wait3A_51 = arith.constant 0 : i32
      %dma_wait3A_52 = arith.constant 0 : i32
      %dma_wait3A_53 = tpu.memref_slice %arg13[%dma_wait3A_51, %dma_wait3A_52] : memref<50176x32xf32, #tpu.memory_space<vmem_shared>> -> memref<50176x32xf32, #tpu.memory_space<vmem_shared>>
      tpu.wait_indirect_dma semaphore(%arg16 : memref<!tpu.dma_semaphore, #tpu.memory_space<semaphore_mem>>) src(%arg9 : memref<384x32xf32, #tpu.memory_space<vmem>>) dst(%dma_wait3A_53 : memref<50176x32xf32, #tpu.memory_space<vmem_shared>>)
      %lt3A_54 = arith.constant 109 : i32
      %lt3A_55 = arith.cmpi slt, %scan3A_39, %lt3A_54 : i32
      %convert_element_type3A_56 = arith.extui %lt3A_55 : i1 to i32
      %cond3A_57 = arith.constant 0 : i32
      %cond3A_58 = arith.cmpi ne, %convert_element_type3A_56, %cond3A_57 : i32
      scf.if %cond3A_58 {
        %add3A_67 = arith.constant 1 : i32
        %add3A_68 = arith.addi %scan3A_39, %add3A_67 : i32
        %mul3A_69 = arith.constant 384 : i32
        %mul3A_70 = arith.muli %add3A_68, %mul3A_69 : i32
        %add3A_71 = arith.addi %mul3A_2, %mul3A_70 : i32
        "tpu.region"() ({
          %run_scoped3A = tpu.sem_alloc : memref<!tpu.dma_semaphore, #tpu.memory_space<semaphore_mem>>
          %dma_start3A_78 = tpu.memref_slice %arg3[%add3A_71] : memref<1351680xi32, #tpu.memory_space<hbm>> -> memref<384xi32, #tpu.memory_space<hbm>>
          %dma_start3A_79 = tpu.memref_slice %arg3[%add3A_71] : memref<1351680xi32, #tpu.memory_space<hbm>> -> memref<384xi32, #tpu.memory_space<hbm>>
          tpu.enqueue_dma source(%dma_start3A_79 : memref<384xi32, #tpu.memory_space<hbm>>) target(%arg7 : memref<384xi32, #tpu.memory_space<vmem>>) target_semaphore(%run_scoped3A : memref<!tpu.dma_semaphore, #tpu.memory_space<semaphore_mem>>)
          %dma_wait3A_80 = tpu.memref_slice %arg3[%add3A_71] : memref<1351680xi32, #tpu.memory_space<hbm>> -> memref<384xi32, #tpu.memory_space<hbm>>
          %dma_wait3A_81 = tpu.memref_slice %arg3[%add3A_71] : memref<1351680xi32, #tpu.memory_space<hbm>> -> memref<384xi32, #tpu.memory_space<hbm>>
          tpu.wait_dma2 semaphore(%run_scoped3A : memref<!tpu.dma_semaphore, #tpu.memory_space<semaphore_mem>>) src(%dma_wait3A_81 : memref<384xi32, #tpu.memory_space<hbm>>) dst(%arg7 : memref<384xi32, #tpu.memory_space<vmem>>)
          tpu.yield
        }) : () -> ()
        %mul3A_72 = arith.constant 384 : i32
        %mul3A_73 = arith.muli %add3A_68, %mul3A_72 : i32
        %add3A_74 = arith.addi %add3A_6, %mul3A_73 : i32
        "tpu.region"() ({
          %run_scoped3A = tpu.sem_alloc : memref<!tpu.dma_semaphore, #tpu.memory_space<semaphore_mem>>
          %dma_start3A_78 = tpu.memref_slice %arg4[%add3A_74] : memref<2703360xi32, #tpu.memory_space<hbm>> -> memref<384xi32, #tpu.memory_space<hbm>>
          %dma_start3A_79 = tpu.memref_slice %arg4[%add3A_74] : memref<2703360xi32, #tpu.memory_space<hbm>> -> memref<384xi32, #tpu.memory_space<hbm>>
          tpu.enqueue_dma source(%dma_start3A_79 : memref<384xi32, #tpu.memory_space<hbm>>) target(%arg8 : memref<384xi32, #tpu.memory_space<vmem>>) target_semaphore(%run_scoped3A : memref<!tpu.dma_semaphore, #tpu.memory_space<semaphore_mem>>)
          %dma_wait3A_80 = tpu.memref_slice %arg4[%add3A_74] : memref<2703360xi32, #tpu.memory_space<hbm>> -> memref<384xi32, #tpu.memory_space<hbm>>
          %dma_wait3A_81 = tpu.memref_slice %arg4[%add3A_74] : memref<2703360xi32, #tpu.memory_space<hbm>> -> memref<384xi32, #tpu.memory_space<hbm>>
          tpu.wait_dma2 semaphore(%run_scoped3A : memref<!tpu.dma_semaphore, #tpu.memory_space<semaphore_mem>>) src(%dma_wait3A_81 : memref<384xi32, #tpu.memory_space<hbm>>) dst(%arg8 : memref<384xi32, #tpu.memory_space<vmem>>)
          tpu.yield
        }) : () -> ()
        %dma_start3A_75 = arith.constant 0 : i32
        %dma_start3A_76 = arith.constant 0 : i32
        %dma_start3A_77 = tpu.memref_slice %arg2[%dma_start3A_75, %dma_start3A_76] : memref<2700000x32xf32, #tpu.memory_space<hbm>> -> memref<2700000x32xf32, #tpu.memory_space<hbm>>
        tpu.enqueue_indirect_dma source(%dma_start3A_77 : memref<2700000x32xf32, #tpu.memory_space<hbm>>) target(%arg9 : memref<384x32xf32, #tpu.memory_space<vmem>>) offsets(%arg7 : memref<384xi32, #tpu.memory_space<vmem>>) semaphore(%arg14 : memref<!tpu.dma_semaphore, #tpu.memory_space<semaphore_mem>>)
      } else {
      }
      %dma_wait3A_59 = arith.constant 0 : i32
      %dma_wait3A_60 = arith.constant 0 : i32
      %dma_wait3A_61 = tpu.memref_slice %arg13[%dma_wait3A_59, %dma_wait3A_60] : memref<50176x32xf32, #tpu.memory_space<vmem_shared>> -> memref<50176x32xf32, #tpu.memory_space<vmem_shared>>
      tpu.wait_indirect_dma semaphore(%arg17 : memref<!tpu.dma_semaphore, #tpu.memory_space<semaphore_mem>>) src(%arg12 : memref<384x32xf32, #tpu.memory_space<vmem>>) dst(%dma_wait3A_61 : memref<50176x32xf32, #tpu.memory_space<vmem_shared>>)
      %lt3A_62 = arith.constant 109 : i32
      %lt3A_63 = arith.cmpi slt, %scan3A_39, %lt3A_62 : i32
      %convert_element_type3A_64 = arith.extui %lt3A_63 : i1 to i32
      %cond3A_65 = arith.constant 0 : i32
      %cond3A_66 = arith.cmpi ne, %convert_element_type3A_64, %cond3A_65 : i32
      scf.if %cond3A_66 {
        %add3A_67 = arith.constant 1 : i32
        %add3A_68 = arith.addi %scan3A_39, %add3A_67 : i32
        %mul3A_69 = arith.constant 384 : i32
        %mul3A_70 = arith.muli %add3A_68, %mul3A_69 : i32
        %add3A_71 = arith.addi %add3A_3, %mul3A_70 : i32
        "tpu.region"() ({
          %run_scoped3A = tpu.sem_alloc : memref<!tpu.dma_semaphore, #tpu.memory_space<semaphore_mem>>
          %dma_start3A_78 = tpu.memref_slice %arg3[%add3A_71] : memref<1351680xi32, #tpu.memory_space<hbm>> -> memref<384xi32, #tpu.memory_space<hbm>>
          %dma_start3A_79 = tpu.memref_slice %arg3[%add3A_71] : memref<1351680xi32, #tpu.memory_space<hbm>> -> memref<384xi32, #tpu.memory_space<hbm>>
          tpu.enqueue_dma source(%dma_start3A_79 : memref<384xi32, #tpu.memory_space<hbm>>) target(%arg10 : memref<384xi32, #tpu.memory_space<vmem>>) target_semaphore(%run_scoped3A : memref<!tpu.dma_semaphore, #tpu.memory_space<semaphore_mem>>)
          %dma_wait3A_80 = tpu.memref_slice %arg3[%add3A_71] : memref<1351680xi32, #tpu.memory_space<hbm>> -> memref<384xi32, #tpu.memory_space<hbm>>
          %dma_wait3A_81 = tpu.memref_slice %arg3[%add3A_71] : memref<1351680xi32, #tpu.memory_space<hbm>> -> memref<384xi32, #tpu.memory_space<hbm>>
          tpu.wait_dma2 semaphore(%run_scoped3A : memref<!tpu.dma_semaphore, #tpu.memory_space<semaphore_mem>>) src(%dma_wait3A_81 : memref<384xi32, #tpu.memory_space<hbm>>) dst(%arg10 : memref<384xi32, #tpu.memory_space<vmem>>)
          tpu.yield
        }) : () -> ()
        %mul3A_72 = arith.constant 384 : i32
        %mul3A_73 = arith.muli %add3A_68, %mul3A_72 : i32
        %add3A_74 = arith.addi %add3A_9, %mul3A_73 : i32
        "tpu.region"() ({
          %run_scoped3A = tpu.sem_alloc : memref<!tpu.dma_semaphore, #tpu.memory_space<semaphore_mem>>
          %dma_start3A_78 = tpu.memref_slice %arg4[%add3A_74] : memref<2703360xi32, #tpu.memory_space<hbm>> -> memref<384xi32, #tpu.memory_space<hbm>>
          %dma_start3A_79 = tpu.memref_slice %arg4[%add3A_74] : memref<2703360xi32, #tpu.memory_space<hbm>> -> memref<384xi32, #tpu.memory_space<hbm>>
          tpu.enqueue_dma source(%dma_start3A_79 : memref<384xi32, #tpu.memory_space<hbm>>) target(%arg11 : memref<384xi32, #tpu.memory_space<vmem>>) target_semaphore(%run_scoped3A : memref<!tpu.dma_semaphore, #tpu.memory_space<semaphore_mem>>)
          %dma_wait3A_80 = tpu.memref_slice %arg4[%add3A_74] : memref<2703360xi32, #tpu.memory_space<hbm>> -> memref<384xi32, #tpu.memory_space<hbm>>
          %dma_wait3A_81 = tpu.memref_slice %arg4[%add3A_74] : memref<2703360xi32, #tpu.memory_space<hbm>> -> memref<384xi32, #tpu.memory_space<hbm>>
          tpu.wait_dma2 semaphore(%run_scoped3A : memref<!tpu.dma_semaphore, #tpu.memory_space<semaphore_mem>>) src(%dma_wait3A_81 : memref<384xi32, #tpu.memory_space<hbm>>) dst(%arg11 : memref<384xi32, #tpu.memory_space<vmem>>)
          tpu.yield
        }) : () -> ()
        %dma_start3A_75 = arith.constant 0 : i32
        %dma_start3A_76 = arith.constant 0 : i32
        %dma_start3A_77 = tpu.memref_slice %arg2[%dma_start3A_75, %dma_start3A_76] : memref<2700000x32xf32, #tpu.memory_space<hbm>> -> memref<2700000x32xf32, #tpu.memory_space<hbm>>
        tpu.enqueue_indirect_dma source(%dma_start3A_77 : memref<2700000x32xf32, #tpu.memory_space<hbm>>) target(%arg12 : memref<384x32xf32, #tpu.memory_space<vmem>>) offsets(%arg10 : memref<384xi32, #tpu.memory_space<vmem>>) semaphore(%arg15 : memref<!tpu.dma_semaphore, #tpu.memory_space<semaphore_mem>>)
      } else {
      }
    }
    %scan3A_27 = arith.constant 110 : i32
    %barrier3A_28 = arith.constant 0 : index
    tpu.barrier barrier_id(%barrier3A_28)
    %eq3A = arith.constant 0 : i32
    %eq3A_29 = arith.cmpi eq, %arg0, %eq3A : i32
    %lt3A = arith.constant 15 : i32
    %lt3A_30 = arith.cmpi slt, %arg1, %lt3A : i32
    %or3A = arith.ori %eq3A_29, %lt3A_30 : i1
    %convert_element_type3A = arith.extui %or3A : i1 to i32
    %cond3A = arith.constant 0 : i32
    %cond3A_31 = arith.cmpi ne, %convert_element_type3A, %cond3A : i32
    scf.if %cond3A_31 {
      %mul3A_39 = arith.constant 3128 : i32
      %mul3A_40 = arith.muli %arg1, %mul3A_39 : i32
      %mul3A_41 = arith.constant 50048 : i32
      %mul3A_42 = arith.muli %arg0, %mul3A_41 : i32
      %mul3A_43 = arith.constant 3128 : i32
      %mul3A_44 = arith.muli %arg1, %mul3A_43 : i32
      %add3A_45 = arith.addi %mul3A_42, %mul3A_44 : i32
      "tpu.region"() ({
        %run_scoped3A = tpu.sem_alloc : memref<!tpu.dma_semaphore, #tpu.memory_space<semaphore_mem>>
        %dma_start3A_46 = arith.constant 0 : i32
        %dma_start3A_47 = tpu.memref_slice %arg6[%add3A_45, %dma_start3A_46] : memref<100000x32xf32, #tpu.memory_space<hbm>> -> memref<3128x32xf32, #tpu.memory_space<hbm>>
        %dma_start3A_48 = arith.constant 0 : i32
        %dma_start3A_49 = tpu.memref_slice %arg13[%mul3A_40, %dma_start3A_48] : memref<50176x32xf32, #tpu.memory_space<vmem_shared>> -> memref<3128x32xf32, #tpu.memory_space<vmem_shared>>
        tpu.enqueue_dma source(%dma_start3A_49 : memref<3128x32xf32, #tpu.memory_space<vmem_shared>>) target(%dma_start3A_47 : memref<3128x32xf32, #tpu.memory_space<hbm>>) target_semaphore(%run_scoped3A : memref<!tpu.dma_semaphore, #tpu.memory_space<semaphore_mem>>)
        %dma_wait3A = arith.constant 0 : i32
        %dma_wait3A_50 = tpu.memref_slice %arg6[%add3A_45, %dma_wait3A] : memref<100000x32xf32, #tpu.memory_space<hbm>> -> memref<3128x32xf32, #tpu.memory_space<hbm>>
        %dma_wait3A_51 = arith.constant 0 : i32
        %dma_wait3A_52 = tpu.memref_slice %arg13[%mul3A_40, %dma_wait3A_51] : memref<50176x32xf32, #tpu.memory_space<vmem_shared>> -> memref<3128x32xf32, #tpu.memory_space<vmem_shared>>
        tpu.wait_dma2 semaphore(%run_scoped3A : memref<!tpu.dma_semaphore, #tpu.memory_space<semaphore_mem>>) src(%dma_wait3A_52 : memref<3128x32xf32, #tpu.memory_space<vmem_shared>>) dst(%dma_wait3A_50 : memref<3128x32xf32, #tpu.memory_space<hbm>>)
        tpu.yield
      }) : () -> ()
    } else {
    }
    %eq3A_32 = arith.constant 1 : i32
    %eq3A_33 = arith.cmpi eq, %arg0, %eq3A_32 : i32
    %eq3A_34 = arith.constant 15 : i32
    %eq3A_35 = arith.cmpi eq, %arg1, %eq3A_34 : i32
    %and3A = arith.andi %eq3A_33, %eq3A_35 : i1
    %convert_element_type3A_36 = arith.extui %and3A : i1 to i32
    %cond3A_37 = arith.constant 0 : i32
    %cond3A_38 = arith.cmpi ne, %convert_element_type3A_36, %cond3A_37 : i32
    scf.if %cond3A_38 {
      "tpu.region"() ({
        %run_scoped3A = tpu.sem_alloc : memref<!tpu.dma_semaphore, #tpu.memory_space<semaphore_mem>>
        %dma_start3A_39 = arith.constant 96968 : i32
        %dma_start3A_40 = arith.constant 0 : i32
        %dma_start3A_41 = tpu.memref_slice %arg6[%dma_start3A_39, %dma_start3A_40] : memref<100000x32xf32, #tpu.memory_space<hbm>> -> memref<3032x32xf32, #tpu.memory_space<hbm>>
        %dma_start3A_42 = arith.constant 46920 : i32
        %dma_start3A_43 = arith.constant 0 : i32
        %dma_start3A_44 = tpu.memref_slice %arg13[%dma_start3A_42, %dma_start3A_43] : memref<50176x32xf32, #tpu.memory_space<vmem_shared>> -> memref<3032x32xf32, #tpu.memory_space<vmem_shared>>
        tpu.enqueue_dma source(%dma_start3A_44 : memref<3032x32xf32, #tpu.memory_space<vmem_shared>>) target(%dma_start3A_41 : memref<3032x32xf32, #tpu.memory_space<hbm>>) target_semaphore(%run_scoped3A : memref<!tpu.dma_semaphore, #tpu.memory_space<semaphore_mem>>)
        %dma_wait3A = arith.constant 96968 : i32
        %dma_wait3A_45 = arith.constant 0 : i32
        %dma_wait3A_46 = tpu.memref_slice %arg6[%dma_wait3A, %dma_wait3A_45] : memref<100000x32xf32, #tpu.memory_space<hbm>> -> memref<3032x32xf32, #tpu.memory_space<hbm>>
        %dma_wait3A_47 = arith.constant 46920 : i32
        %dma_wait3A_48 = arith.constant 0 : i32
        %dma_wait3A_49 = tpu.memref_slice %arg13[%dma_wait3A_47, %dma_wait3A_48] : memref<50176x32xf32, #tpu.memory_space<vmem_shared>> -> memref<3032x32xf32, #tpu.memory_space<vmem_shared>>
        tpu.wait_dma2 semaphore(%run_scoped3A : memref<!tpu.dma_semaphore, #tpu.memory_space<semaphore_mem>>) src(%dma_wait3A_49 : memref<3032x32xf32, #tpu.memory_space<vmem_shared>>) dst(%dma_wait3A_46 : memref<3032x32xf32, #tpu.memory_space<hbm>>)
        tpu.yield
      }) : () -> ()
    } else {
    }
    return
  }
}

module attributes {stable_mosaic.version = 14 : i64} {
  func.func @_tc_matmul_body(%arg0: i32, %arg1: i32, %arg2: memref<25000x128xf32, #tpu.memory_space<vmem>>, %arg3: memref<1x128x128xf32, #tpu.memory_space<vmem>>, %arg4: memref<25000x128xf32, #tpu.memory_space<vmem>>) attributes {dimension_semantics = [#tpu.dimension_semantics<arbitrary>, #tpu.dimension_semantics<arbitrary>], iteration_bounds = array<i64: 1, 27>, scalar_prefetch = 0 : i64, scratch_operands = 0 : i64, tpu.core_type = #tpu.core_type<tc>, window_params = [{transform_indices = @transform_0, window_bounds = array<i64: 25000, 128>}, {transform_indices = @transform_1, window_bounds = array<i64: 1, 128, 128>}, {transform_indices = @transform_2, window_bounds = array<i64: 25000, 128>}]} {
    %get3A = arith.constant 0 : index
    %get3A_0 = arith.constant 0 : index
    %get3A_1 = vector.load %arg2[%get3A, %get3A_0] : memref<25000x128xf32, #tpu.memory_space<vmem>>, vector<25000x128xf32>
    %get3A_2 = arith.constant 0 : index
    %get3A_3 = arith.constant 0 : index
    %get3A_4 = arith.constant 0 : index
    %get3A_5 = vector.load %arg3[%get3A_2, %get3A_3, %get3A_4] : memref<1x128x128xf32, #tpu.memory_space<vmem>>, vector<1x128x128xf32>
    %get3A_6 = vector.shape_cast %get3A_5 : vector<1x128x128xf32> to vector<128x128xf32>
    %dot_general3A = arith.constant dense<0.000000e+00> : vector<25000x128xf32>
    %dot_general3A_7 = tpu.matmul %get3A_1, %get3A_6, %dot_general3A {dimension_numbers = #tpu.dot_dimension_numbers<[1], [0], [0], [1], [0, 0, 1, 1], [], []>, transpose_lhs_hint = false} : vector<25000x128xf32>, vector<128x128xf32>, vector<25000x128xf32> -> vector<25000x128xf32>
    %swap3A = arith.constant 0 : index
    %swap3A_8 = arith.constant 0 : index
    %swap3A_9 = vector.load %arg4[%swap3A, %swap3A_8] : memref<25000x128xf32, #tpu.memory_space<vmem>>, vector<25000x128xf32>
    tpu.vector_store %arg4[%swap3A, %swap3A_8], %dot_general3A_7 {strides = array<i32>} : memref<25000x128xf32, #tpu.memory_space<vmem>>, vector<25000x128xf32>,
    return
  }
  func.func @transform_0(%arg0: i32, %arg1: i32) -> (i32, i32) {
    %c0_i32 = arith.constant 0 : i32
    %c0_i32_0 = arith.constant 0 : i32
    return %arg0, %c0_i32 : i32, i32
  }
  func.func @transform_1(%arg0: i32, %arg1: i32) -> (i32, i32, i32) {
    %c0_i32 = arith.constant 0 : i32
    %c0_i32_0 = arith.constant 0 : i32
    %c0_i32_1 = arith.constant 0 : i32
    return %arg1, %c0_i32, %c0_i32_0 : i32, i32, i32
  }
  func.func @transform_2(%arg0: i32, %arg1: i32) -> (i32, i32) {
    %mul3A = arith.constant 1 : i32
    %mul3A_0 = arith.muli %arg1, %mul3A : i32
    %add3A = arith.addi %mul3A_0, %arg0 : i32
    %c0_i32 = arith.constant 0 : i32
    %c0_i32_1 = arith.constant 0 : i32
    return %add3A, %c0_i32 : i32, i32
  }
}

</mosaic_0001>

<sc_bundles>
// kernel: kernel.5.cloned.1.call-start
scs
__scs_entry_jumppad:
0x0: {  	(pc) =	sbr.rel $0x88, $3  }
0x1: {  	(tag) =	ssettag $0x0;
	lr =	simm.s32 $0x1  }
0x2: {  	[smem:$0x3F9D] =	sst lr;
	_ =	strace $0xD0000000  }
0x3: {  	_ = 	snop  }
0x4: {  	_ = 	snop  }
0x5: {  	_ = 	snop  }
0x6: {  	_ = 	snop  }
0x7: {  	_ = 	snop  }
__scs_overlays_trampoline_lowered:
0x8: {  	[smem:$0x3FAC] =	sst s0  }
0x9: {  	[smem:$0x3FAD] =	sst s1  }
0xa: {  	[smem:$0x3FAE] =	sst s2  }
0xb: {  	[smem:$0x3FAF] =	sst s3  }
0xc: {  	[smem:$0x3FB0] =	sst s4  }
0xd: {  	[smem:$0x3FB1] =	sst s5  }
0xe: {  	[smem:$0x3FB2] =	sst s6  }
0xf: {  	[smem:$0x3FB3] =	sst s7  }
0x10: {  	[smem:$0x3FB4] =	sst s8  }
0x11: {  	[smem:$0x3FB5] =	sst s9;
	s0 =	simm.s32 @!p0 $0x0  }
0x12: {  	s1 =	sld [smem:$0x3F9B];
	s0 =	simm.s32 @p0 $0x1  }
0x13: {  	[smem:$0x3FB6] =	sst s0;
	s0 =	simm.s32 @!p1 $0x0  }
0x14: {  	s2 =	sld [smem:$0x3F9A];
	s0 =	simm.s32 @p1 $0x1  }
0x15: {  	[smem:$0x3FB7] =	sst s0;
	s0 =	simm.s32 @!p2 $0x0  }
0x16: {  	s3 =	sld [smem:$0x3FDB];
	s0 =	simm.s32 @p2 $0x1  }
0x17: {  	s4 =	simm.s32 $0x1BF5;
	[smem:$0x3FB9] =	sst s0  }
0x18: {  	s0 =	sld [smem:$0x3F9C];
	_ =	swait.ge [sflag:s4], $0x0  }
0x19: {  	s7 =	sld [smem:$0x3F9D]  }
0x1a: {  	s8 =	sadd.s32 $0xFFFFE003, lr  }
0x1b: {  	s9 =	sadd.s32 $0xFFFFFEF7, lr;
	s5 =	simm.s32 $0xFFFFFFFF;
	p2 =	slt.u32 s8, $0xFFFFF086  }
0x1c: {  	p1 =	slt.u32 s9, $0xF7A;
	s5 =	simm.s32 @!p2 $0x0  }
0x1d: {  	s5 =	simm.s32 @p1 $0x1;
	p0 =	seq.s32 s7, s2  }
0x1e: {  	s7 =	smul.u32 @!p0 $0xF7A, s2;
	p2 =	seq.s32 @!p0 s5, $0x0  }
0x1f: {  	s9 =	smul.u32 $0xF7A, s1;
	s8 =	simm.s32 @!p0 $0x1BF5;
	p2 =	por !p2, p0  }
0x20: {  	[sflag:s8] =	ssyncset.s32 @!p0 $0xFFFFF086;
	s6 =	sadd.s32 @!p0 s3, s7;
	s7 =	simm.s32 @!p0 $0x108  }
0x21: {  	s3 =	sadd.s32 s3, s9;
	s6 =	sadd.s32 @!p0 $0x88, s6;
	s7 =	simm.s32 @p2 $0x1082  }
0x22: {  	[simem:s7], [sflag:s8] =	dma.local @!p0 [hbm:s6], $0xF7A  }
0x23: {  	s9 =	sor.u32 $0xD0000000, s2;
	s6 =	simm.s32 $0x108;
	_ =	swait.ge @!p0 [sflag:s8], $0x0  }
0x24: {  	s3 =	sadd.s32 $0x88, s3;
	s6 =	simm.s32 @!p1 $0x1082;
	[sflag:s4] =	ssyncset.s32 $0xFFFFF086  }
0x25: {  	[simem:s6], [sflag:s4] =	dma.local [hbm:s3], $0xF7A  }
0x26: {  	[smem:$0x3F9D] =	sst s1;
	(tag) =	ssettag s2;
	_ =	strace s9  }
0x27: {  	s1 =	sld [smem:$0x3FAD]  }
0x28: {  	s2 =	sld [smem:$0x3FAE]  }
0x29: {  	s4 =	sld [smem:$0x3FB0]  }
0x2a: {  	p0 =	seq.s32 s5, $0x0;
	s5 =	sld [smem:$0x3FB1]  }
0x2b: {  	s6 =	sld [smem:$0x3FB2]  }
0x2c: {  	s7 =	sld [smem:$0x3FB3]  }
0x2d: {  	s3 =	simm.s32 $0x108;
	s8 =	sld [smem:$0x3FB4]  }
0x2e: {  	s3 =	simm.s32 @!p0 $0x1082;
	s9 =	sld [smem:$0x3FB5]  }
0x2f: {  	lr =	sadd.s32 s0, s3;
	s0 =	sld [smem:$0x3FAC]  }
0x30: {  	s3 =	sld [smem:$0x3FAF]  }
0x31: {  	[smem:$0x3FB8] =	sst s10  }
0x32: {  	s10 =	sld [smem:$0x3FB6];
	_ =	sdelay $0x3  }
0x33: {  	p0 =	seq.s32 s10, $0x1;
	s10 =	sld [smem:$0x3FB8];
	_ =	sdelay $0x3  }
0x34: {  	[smem:$0x3FB8] =	sst s10  }
0x35: {  	s10 =	sld [smem:$0x3FB7];
	_ =	sdelay $0x3  }
0x36: {  	p1 =	seq.s32 s10, $0x1;
	s10 =	sld [smem:$0x3FB8];
	_ =	sdelay $0x3  }
0x37: {  	[smem:$0x3FB8] =	sst s10  }
0x38: {  	s10 =	sld [smem:$0x3FB9]  }
0x39: {  	_ = 	snop;
	(pc) =	sbr.ind lr, $3  }
0x3a: {  	_ = 	snop  }
0x3b: {  	_ = 	snop  }
0x3c: {  	p2 =	seq.s32 s10, $0x1;
	s10 =	sld [smem:$0x3FB8]  }
0x3d: {  	_ =	shalt  }
0x3e: {  	_ =	shalt  }
0x3f: {  	_ =	shalt  }
0x40: {  	_ =	shalt  }
0x41: {  	_ =	shalt  }
0x42: {  	_ =	shalt  }
0x43: {  	_ =	shalt  }
0x44: {  	_ =	shalt  }
0x45: {  	_ =	shalt  }
0x46: {  	_ =	shalt  }
0x47: {  	_ =	shalt  }
0x48: {  	_ =	shalt  }
0x49: {  	_ =	shalt  }
0x4a: {  	_ =	shalt  }
0x4b: {  	_ =	shalt  }
0x4c: {  	_ =	shalt  }
0x4d: {  	_ =	shalt  }
0x4e: {  	_ =	shalt  }
0x4f: {  	_ =	shalt  }
0x50: {  	_ =	shalt  }
0x51: {  	_ =	shalt  }
0x52: {  	_ =	shalt  }
0x53: {  	_ =	shalt  }
0x54: {  	_ =	shalt  }
0x55: {  	_ =	shalt  }
0x56: {  	_ =	shalt  }
0x57: {  	_ =	shalt  }
0x58: {  	_ =	shalt  }
0x59: {  	_ =	shalt  }
0x5a: {  	_ =	shalt  }
0x5b: {  	_ =	shalt  }
0x5c: {  	_ =	shalt  }
0x5d: {  	_ =	shalt  }
0x5e: {  	_ =	shalt  }
0x5f: {  	_ =	shalt  }
0x60: {  	_ =	shalt  }
0x61: {  	_ =	shalt  }
0x62: {  	_ =	shalt  }
0x63: {  	_ =	shalt  }
0x64: {  	_ =	shalt  }
0x65: {  	_ =	shalt  }
0x66: {  	_ =	shalt  }
0x67: {  	_ =	shalt  }
0x68: {  	_ =	shalt  }
0x69: {  	_ =	shalt  }
0x6a: {  	_ =	shalt  }
0x6b: {  	_ =	shalt  }
0x6c: {  	_ =	shalt  }
0x6d: {  	_ =	shalt  }
0x6e: {  	_ =	shalt  }
0x6f: {  	_ =	shalt  }
0x70: {  	_ =	shalt  }
0x71: {  	_ =	shalt  }
0x72: {  	_ =	shalt  }
0x73: {  	_ =	shalt  }
0x74: {  	_ =	shalt  }
0x75: {  	_ =	shalt  }
0x76: {  	_ =	shalt  }
0x77: {  	_ =	shalt  }
0x78: {  	_ =	shalt  }
0x79: {  	_ =	shalt  }
0x7a: {  	_ =	shalt  }
0x7b: {  	_ =	shalt  }
0x7c: {  	_ =	shalt  }
0x7d: {  	_ =	shalt  }
0x7e: {  	_ =	shalt  }
0x7f: {  	_ =	shalt  }
0x80: {  	_ =	shalt  }
0x81: {  	_ =	shalt  }
0x82: {  	_ =	shalt  }
0x83: {  	_ =	shalt  }
0x84: {  	_ =	shalt  }
0x85: {  	_ =	shalt  }
0x86: {  	_ =	shalt  }
0x87: {  	_ =	shalt  }
.Lfunc_end0:
.L_simem_size_0:
called_computation_lowered:
.L_overlay_start_0:
0x88: {  	s2 =	sld [smem:$0x3FD9]  }
0x89: {  	s3 =	sld [smem:$0x3FFE];
	_ =	sdelay $0x1  }
0x8a: {  	s1 =	srdreg.scid  }
0x8b: {  	s0 =	sand.u32 $0x1, s1  }
0x8c: {  	s17 =	sshll.u32 s0, $0xA;
	s2 =	sadd.s32 s3, s2  }
0x8d: {  	s2 =	sadd.s32 s2, s17  }
0x8e: {  	[smem:$0x3FC4] =	sst s2  }
0x8f: {  	_ = 	snop  }
0x90: {  	s2 =	sld [smem:$0x3FD0];
	(tm) =	ssettm $0x1  }
0x91: {  	s18 =	sld [smem:$0x3FFB];
	_ =	sdelay $0x3  }
0x92: {  	_ =	strace s18  }
0x93: {  	s3 =	sld [smem:$0x3FFC];
	_ =	sdelay $0x3  }
0x94: {  	_ =	strace s3  }
0x95: {  	s3 =	sld [smem:$0x3FFD];
	_ =	sdelay $0x3  }
0x96: {  	_ =	strace s3  }
0x97: {  	_ =	strace $0x8FFFFFFF  }
0x98: {  	s19 =	sld [smem:$0x3FDB];
	_ =	sdelay $0x1  }
0x99: {  	s4 =	simm.s32 $_scs_section_size  }
0x9a: {  	s5 =	simm.s32 $_size__tile_overlayer_lowered;
	s6 =	simm.s32 $_tile_overlayer_lowered  }
0x9b: {  	s22 =	simm.s32 $0x1BFF;
	s21 =	sshll.u32 s6, $0x1;
	s3 =	sadd.s32 s4, s19  }
0x9c: {  	s7 =	simm.s32 $0x0;
	s20 =	sshll.u32 s5, $0x1;
	s5 =	sadd.s32 s21, s3  }
0x9d: {  	[timem:s7], [sflag:s22] =	dma.local [hbm:s5], s20  }
0x9e: {  	_ =	swait.ge [sflag:s22], s20  }
0x9f: {  	s4 =	ssub.s32 $0x0, s20;
	[sflag:s22] =	ssyncset.done $0x0  }
0xa0: {  	[sflag:s22] =	ssyncadd.s32 s4;
	_ =	sdelay $0x1  }
0xa1: {  	s23 =	simm.s32 $0x1B8B  }
0xa2: {  	_ =	swait.ge [sflag:s23], $0x1  }
0xa3: {  	[sflag:s23] =	ssyncset.done $0x0  }
0xa4: {  	s25 =	simm.s32 $0x1B8E;
	s24 =	sld [smem:$0x3FFE];
	[sflag:s23] =	ssyncadd.s32 $0xFFFFFFFF  }
0xa5: {  	s26 =	simm.s32 $execute0_lowered;
	[smem:$0x3FD2] =	sst s25  }
0xa6: {  	s5 =	sshll.u32 s26, $0x1;
	_ =	strace $0x80000046;
	[dreg:$0x1] =	wrdreg $0xFFFFFFFF  }
0xa7: {  	s28 =	simm.s32 $_size_execute0_lowered;
	s3 =	sadd.s32 s3, s5;
	[dreg:$0x0] =	wrdreg $0x0  }
0xa8: {  	s5 =	sshll.u32 s28, $0x1;
	[dreg:$0x2] =	wrdreg s3  }
0xa9: {  	[dreg:$0x3] =	wrdreg s5  }
0xaa: {  	[dreg:$0x4] =	wrdreg $0xC0  }
0xab: {  	_ =	task [dreg:s7], $0x5FFFF  }
0xac: {  	[dreg:$0x1] =	wrdreg $0xFFFFFFFF  }
0xad: {  	[dreg:$0x0] =	wrdreg $0x60  }
0xae: {  	[dreg:$0x2] =	wrdreg s24  }
0xaf: {  	[dreg:$0x3] =	wrdreg s2  }
0xb0: {  	[dreg:$0x4] =	wrdreg $0x66000  }
0xb1: {  	[dreg:$0x5] =	wrdreg $0x9  }
0xb2: {  	_ =	task.clear_ibuf [dreg:s7], $0x6FFFF;
	_ =	strace $0x90000046  }
0xb3: {  	s29 =	simm.s32 $0x9;
	_ =	strace $0x80000048  }
0xb4: {  	_ =	swait.ge [sflag:s29], $0x1  }
0xb5: {  	[sflag:s29] =	ssyncadd.s32 $0xFFFFFFFF  }
0xb6: {  	_ =	strace $0x90000048  }
0xb7: {  	_ =	sfence  }
0xb8: {  	s30 =	sld [smem:$0x0];
	_ =	sdelay $0x2  }
0xb9: {  	s31 =	sshll.u32 s1, $0xD;
	s1 =	sshrl.u32 s1, $0x2  }
0xba: {  	s3 =	sand.u32 $0x4000, s31;
	s1 =	sadd.s32 s1, s30  }
0xbb: {  	s0 =	sor.u32 s3, s0;
	s1 =	sshll.u32 s1, $0x11  }
0xbc: {  	s0 =	sor.u32 s1, s0  }
0xbd: {  	s0 =	sadd.s32 $0x8F2B, s0  }
0xbe: {  	[sflag:s0] =	ssyncadd.remote.s32 $0x1  }
0xbf: {  	_ =	sfence.sel $0xFFFF  }
0xc0: {  	[dreg:$0x0] =	wrdreg $0xFFFFFFFF;
	(pc) =	sbr.abs _section_cstart, $3  }
0xc1: {  	[dreg:$0x1] =	wrdreg $0xFFFFFFFF  }
0xc2: {  	_ =	task.clear_ibuf [dreg:s7], $0x2FFFF;
	_ =	strace $0x9FFFFFFF  }
0xc3: {  	(tm) =	ssettm $0x7FFFFFFF  }
tec
execute0_lowered:
.L_overlay_start_1:
0x0: {  	(tag) =	ssettag $0x1  }
0x1: {  	s0 =	rddreg [dreg:$0x0]  }
0x2: {  	s12 =	rddreg [dreg:$0x1]  }
0x3: {  	s1 =	rddreg [dreg:$0x2]  }
0x4: {  	s2 =	simm.s32 $0x0;
	s5 =	srdreg.scid;
	s3 =	stileid.u32  }
0x5: {  	s28 =	simm.s32 $0x2;
	s29 =	simm.s32 $0x3;
	s30 =	simm.s32 $0x4  }
0x6: {  	s31 =	simm.s32 $0x0;
	[smem:$0x7FF] =	sst s2;
	s6 =	smul.u32 $0x62000, s3  }
0x7: {  	s4 =	sadd.s32 $0xA7000, s0;
	s14 =	sadd.s32 $0x2000, s0;
	s7 =	smul.u32 $0x14A00, s3  }
0x8: {  	s16 =	sadd.s32 $0x54800, s0;
	s11 =	sand.u32 $0x1, s5;
	s18 =	smul.u32 $0x30E0, s3  }
0x9: {  	s0 =	sadd.s32 $0x2B400, s0;
	s23 =	sshll.u32 s3, $0x6;
	s19 =	smul.u32 $0x61C00, s3  }
0xa: {  	p1 =	sne.s32 s3, $0xF;
	p2 =	seq.s32 s3, $0xF;
	s20 =	smul.u32 $0x2940, s3  }
0xb: {  	_ =	strace $0x80000047;
	[dreg:$0x4] =	wrdreg s0;
	s22 =	ssub.s32 $0x2, s11  }
0xc: {  	s9 =	smul.u32 $0x14A000, s11;
	p0 =	seq.s32 s11, $0x0;
	p6 =	seq.s32 s11, $0x1  }
0xd: {  	s8 =	sshrl.u32 s22, $0x1;
	s6 =	sshrl.u32 s6, $0x2;
	s10 =	sadd.s32 $0xA500, s7  }
0xe: {  	p0 =	por p0, p1;
	s19 =	sshrl.u32 s19, $0x2;
	p1 =	por !p2, !p6  }
0xf: {  	s0 =	ssub.s32 s22, s8;
	s17 =	sadd.s32 s6, s1;
	s6 =	sor.u32 $0x1C05, s23  }
0x10: {  	s15 =	sadd.s32 s7, s9;
	s13 =	sadd.s32 s9, s10;
	s7 =	sshrl.u32 s7, $0x3  }
0x11: {  	s26 =	sshrl.u32 s10, $0x3;
	p1 =	por !p1, !p1;
	s24 =	sshrl.u32 s15, $0x3  }
0x12: {  	s25 =	sadd.s32 s14, s7;
	s9 =	sadd.s32 s14, s26;
	s5 =	sshrl.u32 s13, $0x3  }
0x13: {  	s7 =	smul.u32 $0x30E00, s11;
	s21 =	sor.u32 $0x180, s15;
	s23 =	sadd.s32 $0xA680, s15  }
0x14: {  	s14 =	sadd.s32 s20, s14;
	s17 =	sshrl.u32 s17, $0x3;
	s20 =	simm.s32 $0x300  }
0x15: {  	[dreg:$0x5] =	wrdreg s25;
	s8 =	sadd.s32 s16, s24;
	s10 =	sadd.s32 s16, s5  }
0x16: {  	s24 =	sadd.s32 s19, s1;
	s25 =	sadd.s32 $0x16E900, s1;
	s22 =	sshrl.u32 s21, $0x3  }
0x17: {  	s26 =	sshrl.u32 s23, $0x3;
	s19 =	simm.s32 $0x180;
	s21 =	simm.s32 $0x3300  }
0x18: {  	s23 =	simm.s32 $0x3600;
	s13 =	sadd.s32 s18, s7;
	s15 =	sadd.s32 s22, s16  }
0x19: {  	s16 =	sadd.s32 s26, s16;
	s18 =	simm.s32 $0x5;
	s22 =	simm.s32 $0x3480  }
0x1a: {  	s24 =	sshrl.u32 @p0 s24, $0x3;
	s25 =	sshrl.u32 @p1 s25, $0x3;
	s26 =	simm.s32 $0x1  }
0x1b: {  	s11 =	sadd.s32 s12, s13;
	s12 =	sadd.s32 $0x5EB20, s12;
	s13 =	smax.u32 s0, $0x1  }
.LBB2_1:
0x1c: {  	s0 =	rddreg [dreg:$0x4]  }
0x1d: {  	[spmem:s17], [sflag:s6] =	dma.local [hbm:s0], $0x3100  }
0x1e: {  	_ =	swait.ge [sflag:s18], $0x3100  }
0x1f: {  	[sflag:s18] =	ssyncset.done $0x0  }
0x20: {  	[sflag:s18] =	ssyncadd.s32 $0xFFFFCF00  }
0x21: {  	[bflag:$0x0] =	sbarrier.arrive $0xFFFF  }
0x22: {  	s5 =	rddreg [dreg:$0x5]  }
0x23: {  	[tilespmem:s2], [sflag:$0x5] =	stream.linear.gather [hbm4b:s5+s2], $0x180, $0x38;
	[tilespmem:$0x1EE00] =	vst v63  }
0x24: {  	_ =	swait.ge [sflag:s18], $0x180  }
0x25: {  	[sflag:s18] =	ssyncset.done $0x0  }
0x26: {  	[sflag:s18] =	ssyncadd.s32 $0xFFFFFE80  }
0x27: {  	[tilespmem:s19], [sflag:$0x5] =	stream.linear.gather [hbm4b:s8+s2], $0x180, $0x38;
	[tilespmem:$0x1EE00] =	vst v63  }
0x28: {  	_ =	swait.ge [sflag:s18], $0x180  }
0x29: {  	[sflag:s18] =	ssyncset.done $0x0  }
0x2a: {  	[sflag:s18] =	ssyncadd.s32 $0xFFFFFE80  }
0x2b: {  	[tilespmem:s20], [sflag:$0x1] =	stream.indirect.gather [hbm4b:s4+s19], $0x20, s2, s19, $0xb8;
	[tilespmem:$0x1EE00] =	vst v63  }
0x2c: {  	_ = 	snop  }
0x2d: {  	[tilespmem:s21], [sflag:$0x5] =	stream.linear.gather [hbm4b:s9+s2], $0x180, $0x38;
	[tilespmem:$0x1EE00] =	vst v63  }
0x2e: {  	_ =	swait.ge [sflag:s18], $0x180  }
0x2f: {  	[sflag:s18] =	ssyncset.done $0x0  }
0x30: {  	[sflag:s18] =	ssyncadd.s32 $0xFFFFFE80  }
0x31: {  	[tilespmem:s22], [sflag:$0x5] =	stream.linear.gather [hbm4b:s10+s2], $0x180, $0x38;
	[tilespmem:$0x1EE00] =	vst v63  }
0x32: {  	_ =	swait.ge [sflag:s18], $0x180  }
0x33: {  	[sflag:s18] =	ssyncset.done $0x0  }
0x34: {  	[sflag:s18] =	ssyncadd.s32 $0xFFFFFE80  }
0x35: {  	[tilespmem:s23], [sflag:$0x2] =	stream.indirect.gather [hbm4b:s4+s19], $0x20, s21, s19, $0xb8;
	[tilespmem:$0x1EE00] =	vst v63  }
0x36: {  	_ =	swait.ge [sflag:s26], $0x3000  }
0x37: {  	[sflag:s26] =	ssyncset.done $0x0  }
0x38: {  	[sflag:s26] =	ssyncadd.s32 $0xFFFFD000  }
0x39: {  	[spmem:s1] =	stream.indirect.scatter.add.f32 [tilespmem:s20], [sflag:$0x3], $0x20, s19, s19, $0xb8;
	[tilespmem:$0x1EE00] =	vst v63  }
0x3a: {  	_ =	swait.ge [sflag:s28], $0x3000  }
0x3b: {  	[sflag:s28] =	ssyncset.done $0x0  }
0x3c: {  	[sflag:s28] =	ssyncadd.s32 $0xFFFFD000  }
0x3d: {  	[spmem:s1] =	stream.indirect.scatter.add.f32 [tilespmem:s23], [sflag:$0x4], $0x20, s22, s19, $0xb8;
	[tilespmem:$0x1EE00] =	vst v63  }
0x3e: {  	_ =	swait.ge [sflag:s29], $0x3000  }
0x3f: {  	s7 =	sadd.s32 $0x0, s14;
	[sflag:s29] =	ssyncset.done $0x0  }
0x40: {  	s3 =	sadd.s32 $0x30, s7;
	[sflag:s29] =	ssyncadd.s32 $0xFFFFD000  }
0x41: {  	[tilespmem:s2], [sflag:$0x5] =	stream.linear.gather [hbm4b:s3+s2], $0x180, $0x38;
	[tilespmem:$0x1EE00] =	vst v63  }
0x42: {  	_ =	swait.ge [sflag:s18], $0x180  }
0x43: {  	[sflag:s18] =	ssyncset.done $0x0  }
0x44: {  	s5 =	sadd.s32 $0x0, s15;
	[sflag:s18] =	ssyncadd.s32 $0xFFFFFE80  }
0x45: {  	[tilespmem:s19], [sflag:$0x5] =	stream.linear.gather [hbm4b:s5+s2], $0x180, $0x38;
	[tilespmem:$0x1EE00] =	vst v63  }
0x46: {  	_ =	swait.ge [sflag:s18], $0x180  }
0x47: {  	[sflag:s18] =	ssyncset.done $0x0  }
0x48: {  	[sflag:s18] =	ssyncadd.s32 $0xFFFFFE80  }
0x49: {  	[tilespmem:s20], [sflag:$0x1] =	stream.indirect.gather [hbm4b:s4+s19], $0x20, s2, s19, $0xb8;
	[tilespmem:$0x1EE00] =	vst v63  }
0x4a: {  	_ =	swait.ge [sflag:s30], $0x3000  }
0x4b: {  	[sflag:s30] =	ssyncset.done $0x0  }
0x4c: {  	s0 =	sadd.s32 $0x14D0, s7;
	[sflag:s30] =	ssyncadd.s32 $0xFFFFD000  }
0x4d: {  	[tilespmem:s21], [sflag:$0x5] =	stream.linear.gather [hbm4b:s0+s2], $0x180, $0x38;
	[tilespmem:$0x1EE00] =	vst v63  }
0x4e: {  	_ =	swait.ge [sflag:s18], $0x180  }
0x4f: {  	[sflag:s18] =	ssyncset.done $0x0  }
0x50: {  	s7 =	sadd.s32 $0x0, s16;
	[sflag:s18] =	ssyncadd.s32 $0xFFFFFE80  }
0x51: {  	[tilespmem:s22], [sflag:$0x5] =	stream.linear.gather [hbm4b:s7+s2], $0x180, $0x38;
	[tilespmem:$0x1EE00] =	vst v63  }
0x52: {  	_ =	swait.ge [sflag:s18], $0x180  }
0x53: {  	[sflag:s18] =	ssyncset.done $0x0  }
0x54: {  	s0 =	simm.s32 $0x30;
	[sflag:s18] =	ssyncadd.s32 $0xFFFFFE80  }
.LBB2_2:
0x55: {  	[tilespmem:s23], [sflag:$0x2] =	stream.indirect.gather [hbm4b:s4+s19], $0x20, s21, s19, $0xb8;
	[tilespmem:$0x1EE00] =	vst v63  }
0x56: {  	s3 =	smov.u32 s0  }
0x57: {  	p2 =	sne.s32 s0, $0x1440;
	s0 =	sadd.s32 $0x30, s0;
	_ =	swait.ge [sflag:s26], $0x3000  }
0x58: {  	[sflag:s26] =	ssyncset.done $0x0  }
0x59: {  	[sflag:s26] =	ssyncadd.s32 $0xFFFFD000  }
0x5a: {  	[spmem:s1] =	stream.indirect.scatter.add.f32 [tilespmem:s20], [sflag:$0x3], $0x20, s19, s19, $0xb8;
	[tilespmem:$0x1EE00] =	vst v63  }
0x5b: {  	_ =	swait.ge [sflag:s28], $0x3000  }
0x5c: {  	[sflag:s28] =	ssyncset.done $0x0  }
0x5d: {  	[sflag:s28] =	ssyncadd.s32 $0xFFFFD000  }
0x5e: {  	[spmem:s1] =	stream.indirect.scatter.add.f32 [tilespmem:s23], [sflag:$0x4], $0x20, s22, s19, $0xb8;
	[tilespmem:$0x1EE00] =	vst v63  }
0x5f: {  	_ =	swait.ge [sflag:s29], $0x3000  }
0x60: {  	s5 =	sadd.s32 s3, s14;
	[sflag:s29] =	ssyncset.done $0x0  }
0x61: {  	s7 =	sadd.s32 $0x30, s5;
	[sflag:s29] =	ssyncadd.s32 $0xFFFFD000  }
0x62: {  	[tilespmem:s2], [sflag:$0x5] =	stream.linear.gather [hbm4b:s7+s2], $0x180, $0x38;
	[tilespmem:$0x1EE00] =	vst v63  }
0x63: {  	_ =	swait.ge [sflag:s18], $0x180  }
0x64: {  	[sflag:s18] =	ssyncset.done $0x0  }
0x65: {  	s7 =	sadd.s32 s3, s15;
	[sflag:s18] =	ssyncadd.s32 $0xFFFFFE80  }
0x66: {  	[tilespmem:s19], [sflag:$0x5] =	stream.linear.gather [hbm4b:s7+s2], $0x180, $0x38;
	[tilespmem:$0x1EE00] =	vst v63  }
0x67: {  	_ =	swait.ge [sflag:s18], $0x180  }
0x68: {  	[sflag:s18] =	ssyncset.done $0x0  }
0x69: {  	[sflag:s18] =	ssyncadd.s32 $0xFFFFFE80  }
0x6a: {  	[tilespmem:s20], [sflag:$0x1] =	stream.indirect.gather [hbm4b:s4+s19], $0x20, s2, s19, $0xb8;
	[tilespmem:$0x1EE00] =	vst v63  }
0x6b: {  	_ =	swait.ge [sflag:s30], $0x3000  }
0x6c: {  	[sflag:s30] =	ssyncset.done $0x0  }
0x6d: {  	s5 =	sadd.s32 $0x14D0, s5;
	[sflag:s30] =	ssyncadd.s32 $0xFFFFD000  }
0x6e: {  	[tilespmem:s21], [sflag:$0x5] =	stream.linear.gather [hbm4b:s5+s2], $0x180, $0x38;
	[tilespmem:$0x1EE00] =	vst v63  }
0x6f: {  	_ =	swait.ge [sflag:s18], $0x180  }
0x70: {  	[sflag:s18] =	ssyncset.done $0x0  }
.Ltmp0:
0x71: {  	s3 =	sadd.s32 s3, s16;
	[sflag:s18] =	ssyncadd.s32 $0xFFFFFE80;
	(pc) =	sbr.rel @p2 .LBB2_2-.Ltmp0, $4  }
0x72: {  	[tilespmem:s22], [sflag:$0x5] =	stream.linear.gather [hbm4b:s3+s2], $0x180, $0x38;
	[tilespmem:$0x1EE00] =	vst v63  }
0x73: {  	_ =	swait.ge [sflag:s18], $0x180  }
0x74: {  	[sflag:s18] =	ssyncset.done $0x0  }
0x75: {  	[sflag:s18] =	ssyncadd.s32 $0xFFFFFE80  }
0x76: {  	[tilespmem:s23], [sflag:$0x2] =	stream.indirect.gather [hbm4b:s4+s19], $0x20, s21, s19, $0xb8;
	[tilespmem:$0x1EE00] =	vst v63  }
0x77: {  	_ =	swait.ge [sflag:s26], $0x3000  }
0x78: {  	[sflag:s26] =	ssyncset.done $0x0  }
0x79: {  	[sflag:s26] =	ssyncadd.s32 $0xFFFFD000  }
0x7a: {  	[spmem:s1] =	stream.indirect.scatter.add.f32 [tilespmem:s20], [sflag:$0x3], $0x20, s19, s19, $0xb8;
	[tilespmem:$0x1EE00] =	vst v63  }
0x7b: {  	_ =	swait.ge [sflag:s28], $0x3000  }
0x7c: {  	[sflag:s28] =	ssyncset.done $0x0  }
0x7d: {  	[sflag:s28] =	ssyncadd.s32 $0xFFFFD000  }
0x7e: {  	[spmem:s1] =	stream.indirect.scatter.add.f32 [tilespmem:s23], [sflag:$0x4], $0x20, s22, s19, $0xb8;
	[tilespmem:$0x1EE00] =	vst v63  }
0x7f: {  	_ =	swait.ge [sflag:s29], $0x3000  }
0x80: {  	[sflag:s29] =	ssyncset.done $0x0  }
0x81: {  	[sflag:s29] =	ssyncadd.s32 $0xFFFFD000  }
0x82: {  	_ =	swait.ge [sflag:s30], $0x3000  }
0x83: {  	[sflag:s30] =	ssyncset.done $0x0  }
0x84: {  	[sflag:s30] =	ssyncadd.s32 $0xFFFFD000  }
0x85: {  	s0 =	simm.s32 @p0 $0x5;
	[bflag:$0x0] =	sbarrier.arrive $0xFFFF  }
0x86: {  	[hbm:s11], [sflag:s6] =	dma.local @p0 [spmem:s24], $0x30E0  }
0x87: {  	s31 =	sadd.s32 $0x1, s31;
	_ =	swait.ge @p0 [sflag:s0], $0x30E0  }
0x88: {  	p2 =	sne.s32 s31, s13;
	[sflag:s0] =	ssyncset.done @p0 $0x0  }
.Ltmp1:
0x89: {  	[sflag:s0] =	ssyncadd.s32 @p0 $0xFFFFCF20;
	s0 =	simm.s32 @p1 $0x5;
	(pc) =	sbr.rel @p2 .LBB2_1-.Ltmp1, $4  }
0x8a: {  	[hbm:s12], [sflag:s6] =	dma.local @p1 [spmem:s25], $0x2F60  }
0x8b: {  	_ =	swait.ge @p1 [sflag:s0], $0x2F60  }
0x8c: {  	[sflag:s0] =	ssyncset.done @p1 $0x0  }
0x8d: {  	[sflag:s0] =	ssyncadd.s32 @p1 $0xFFFFD0A0  }
0x8e: {  	_ =	sfence.sel $0x180000  }
0x8f: {  	[bflag:$0x0] =	sbarrier.arrive $0xFFFF  }
0x90: {  	_ =	strace $0x90000047  }
0x91: {  	s0 =	stileid.u32;
	[bflag:$0x2] =	sbarrier.arrive $0xFFFF  }
0x92: {  	p0 =	sne.s32 s0, $0x0;
	s0 =	rddreg [dreg:$0x3]  }
0x93: {  	s0 =	sadd.s32 @!p0 $0x100000, s0  }
0x94: {  	[sflag:s0] =	ssyncadd.tile.s32 @!p0 $0x1;
	_ =	shalt  }
.Lfunc_end2:
_tile_overlayer_lowered:
.L_overlay_start_2:
0x95: {  	(tag) =	ssettag $0x2  }
0x96: {  	s0 =	rddreg [dreg:$0x0];
	s2 =	stileid.u32  }
0x97: {  	s1 =	rddreg [dreg:$0x1];
	p0 =	sne.s32 s2, $0x0  }
0x98: {  	s3 =	rddreg [dreg:$0x2];
	[bflag:$0x3] =	sbarrier.arrive $0xFFFF;
	s2 =	simm.s32 @!p0 $0x1C05  }
0x99: {  	[timem:s3], [sflag:s2] =	dma.local @!p0 [hbm:s0], s1  }
0x9a: {  	s0 =	simm.s32 @!p0 $0x5  }
0x9b: {  	_ =	swait.ge @!p0 [sflag:s0], s1  }
0x9c: {  	s1 =	ssub.s32 @!p0 $0x0, s1;
	[sflag:s0] =	ssyncset.done @!p0 $0x0  }
0x9d: {  	[sflag:s0] =	ssyncadd.s32 @!p0 s1  }
0x9e: {  	[bflag:$0x3] =	sbarrier.arrive $0xFFFF  }
0x9f: {  	_ =	shalt  }

</sc_bundles>
